<compile_context>
chip_gen: v7x
topology: tpu7x:2x2x1
jax: 0.10.2.dev20260603
libtpu: 0.0.44.dev20260713+nightly
codegen_flags: <defaults>
</compile_context>

<pallas_src>
import functools
import math

import jax
import jax.numpy as jnp
from jax import lax
from jax.experimental import pallas as pl
from jax.experimental.pallas import tpu as pltpu
from jax.experimental.pallas import tpu_sc as plsc

_PADDING_IDX = 0
_SMOOTHING = 0.1
_CONFIDENCE = 1.0 - _SMOOTHING

_NC = 2
_NS = 16
_NW = _NC * _NS
_L = 16


def _sc_gather_body(n, v, x2_hbm, t_hbm, out_hbm, t_v, ridx_v, xg_v,
                    sem_t, sem_g):
    rows_per_w = n // _NW
    chunks = rows_per_w // _L
    tiles_per_row = v // 128
    wid = lax.axis_index("s") * _NC + lax.axis_index("c")
    base = wid * rows_per_w

    pltpu.async_copy(t_hbm.at[pl.ds(base, rows_per_w)], t_v, sem_t).wait()

    iota = lax.iota(jnp.int32, _L)
    for c in range(chunks):
        tv = t_v[pl.ds(c * _L, _L)]
        nv = (base + c * _L + iota) * tiles_per_row
        ridx_v[pl.ds(c * _L, _L)] = nv + lax.shift_right_logical(tv, 7)

    pltpu.async_copy(x2_hbm.at[ridx_v], xg_v, sem_g).wait()
    pltpu.sync_copy(xg_v, out_hbm.at[pl.ds(base, rows_per_w)])


def _make_sc_gather(n, v):
    rows_per_w = n // _NW
    body = functools.partial(_sc_gather_body, n, v)
    return pl.kernel(
        body,
        mesh=plsc.VectorSubcoreMesh(core_axis_name="c", subcore_axis_name="s"),
        out_type=jax.ShapeDtypeStruct((n, 128), jnp.float32),
        scratch_types=[
            pltpu.VMEM((rows_per_w,), jnp.int32),
            pltpu.VMEM((rows_per_w,), jnp.int32),
            pltpu.VMEM((rows_per_w, 128), jnp.float32),
            pltpu.SemaphoreType.DMA,
            pltpu.SemaphoreType.DMA,
        ],
    )


def _red_kernel(t_ref, g_ref, x_ref, o_ref, *, eps, row_const):
    j = pl.program_id(1)
    first = (pl.program_id(0) == 0) & (j == 0)

    x = x_ref[...]
    t = t_ref[0, 0, :]
    m = (t != _PADDING_IDX).astype(jnp.float32)
    partial = -eps * jnp.sum(jnp.sum(x, axis=1) * m)

    @pl.when(first)
    def _():
        o_ref[...] = jnp.zeros_like(o_ref)

    @pl.when(j == 0)
    def _():
        gblk = g_ref[...]
        lane = (t & 127)[:, None]
        li = jax.lax.broadcasted_iota(jnp.int32, gblk.shape, 1)
        gsel = jnp.sum(jnp.where(li == lane, gblk, 0.0), axis=1)
        head = (
            (eps - _CONFIDENCE) * jnp.sum(gsel * m)
            + eps * jnp.sum(x[:, 0] * m)
            + row_const * jnp.sum(m)
        )
        o_ref[...] += jnp.full((1, 1), head, dtype=jnp.float32)

    o_ref[...] += jnp.full((1, 1), partial, dtype=jnp.float32)


def kernel(x, target):
    n, v = x.shape
    row_block = 512
    col_block = 3200
    nr = n // row_block
    nc = v // col_block

    eps = _SMOOTHING / (v - 2)
    row_const = _SMOOTHING * math.log(eps) + _CONFIDENCE * math.log(_CONFIDENCE)

    t32 = target.astype(jnp.int32)
    x2 = x.reshape(n * v // 128, 128)
    g = _make_sc_gather(n, v)(x2, t32)

    t3 = t32.reshape(nr, 1, row_block)

    out = pl.pallas_call(
        functools.partial(_red_kernel, eps=eps, row_const=row_const),
        grid=(nr, nc),
        in_specs=[
            pl.BlockSpec((1, 1, row_block), lambda i, j: (i, 0, 0)),
            pl.BlockSpec((row_block, 128), lambda i, j: (i, 0)),
            pl.BlockSpec((row_block, col_block), lambda i, j: (i, j)),
        ],
        out_specs=pl.BlockSpec((1, 1), lambda i, j: (0, 0)),
        out_shape=jax.ShapeDtypeStruct((1, 1), jnp.float32),
    )(t3, g, x)
    return out[0, 0]

# --- scband reference (transcript-rebuilt; emitter-appended) ---
"""Pipeline reference for scband-label-smoothing-38285338476740 (READ-ONLY COPY).

The authoritative reference and input builder live on the scoring server;
editing this copy changes nothing except your own understanding.
"""

import jax, jax.numpy as jnp
import numpy as np

SIZE = 32000
PADDING_IDX = 0
SMOOTHING = 0.1
CONFIDENCE = 1.0 - SMOOTHING


def setup_inputs(seed: int = 0) -> dict:
    key = jax.random.key(seed)
    k1, k2 = jax.random.split(key)
    x = jax.random.normal(k1, (4096, SIZE), dtype=jnp.float32)
    target = jax.random.randint(k2, (4096,), 0, SIZE, dtype=jnp.int64)
    return {"x": x, "target": target}


def reference(x, target):
    # Faithful port of LabelSmoothing.forward with KLDivLoss(size_average=False) (sum reduction)
    N, V = x.shape
    # true_dist filled with smoothing / (size - 2)
    true_dist = jnp.full((N, V), SMOOTHING / (V - 2), dtype=x.dtype)
    # scatter confidence at target positions (scatter-overwrite)
    true_dist = true_dist.at[jnp.arange(N), target].set(jnp.asarray(CONFIDENCE, dtype=x.dtype))
    # zero out padding column
    true_dist = true_dist.at[:, PADDING_IDX].set(0.0)
    # index_fill_ rows where target == padding_idx with 0.0
    row_mask = (target != PADDING_IDX).astype(x.dtype)
    true_dist = true_dist * row_mask[:, None]
    # KLDivLoss (sum): sum over t * (log(t) - x), with 0-valued targets contributing 0
    safe_t = jnp.where(true_dist > 0, true_dist, 1.0)
    loss = jnp.sum(jnp.where(true_dist > 0, true_dist * (jnp.log(safe_t) - x), 0.0))
    return loss

if __name__ == "__main__":
    import jax
    _d = setup_inputs()
    print(jax.jit(kernel)(*tuple(_d.values())))

</pallas_src>

<mosaic_0001>
#map = affine_map<(d0, d1) -> (0, 0)>
#map1 = affine_map<(d0, d1) -> (0)>
module attributes {stable_mosaic.version = 14 : i64} {
  func.func @_sc_gather_body(%arg0: i32, %arg1: i32, %arg2: memref<1024000x128xf32, #tpu.memory_space<hbm>>, %arg3: memref<4096xi32, #tpu.memory_space<hbm>>, %arg4: memref<4096x128xf32, #tpu.memory_space<hbm>>, %arg5: memref<128xi32, #tpu.memory_space<vmem>>, %arg6: memref<128xi32, #tpu.memory_space<vmem>>, %arg7: memref<128x128xf32, #tpu.memory_space<vmem>>, %arg8: memref<!tpu.dma_semaphore, #tpu.memory_space<semaphore_mem>>, %arg9: memref<!tpu.dma_semaphore, #tpu.memory_space<semaphore_mem>>) attributes {dimension_semantics = [#tpu.dimension_semantics<core_parallel>, #tpu.dimension_semantics<subcore_parallel>], iteration_bounds = array<i64: 2, 16>, scalar_prefetch = 0 : i64, scratch_operands = 5 : i64, tpu.core_type = #tpu.core_type<sc_vector_subcore>, window_params = [{transform_indices = #map}, {transform_indices = #map1}, {transform_indices = #map}]} {
    %mul3A = arith.constant 2 : i32
    %mul3A_0 = arith.muli %arg1, %mul3A : i32
    %add3A = arith.addi %mul3A_0, %arg0 : i32
    %mul3A_1 = arith.constant 128 : i32
    %mul3A_2 = arith.muli %add3A, %mul3A_1 : i32
    %dma_start3A = tpu.memref_slice %arg3[%mul3A_2] : memref<4096xi32, #tpu.memory_space<hbm>> -> memref<128xi32, #tpu.memory_space<hbm>>
    %dma_start3A_3 = tpu.memref_slice %arg3[%mul3A_2] : memref<4096xi32, #tpu.memory_space<hbm>> -> memref<128xi32, #tpu.memory_space<hbm>>
    tpu.enqueue_dma source(%dma_start3A_3 : memref<128xi32, #tpu.memory_space<hbm>>) target(%arg5 : memref<128xi32, #tpu.memory_space<vmem>>) target_semaphore(%arg8 : memref<!tpu.dma_semaphore, #tpu.memory_space<semaphore_mem>>)
    %dma_wait3A = tpu.memref_slice %arg3[%mul3A_2] : memref<4096xi32, #tpu.memory_space<hbm>> -> memref<128xi32, #tpu.memory_space<hbm>>
    %dma_wait3A_4 = tpu.memref_slice %arg3[%mul3A_2] : memref<4096xi32, #tpu.memory_space<hbm>> -> memref<128xi32, #tpu.memory_space<hbm>>
    tpu.wait_dma2 semaphore(%arg8 : memref<!tpu.dma_semaphore, #tpu.memory_space<semaphore_mem>>) src(%dma_wait3A_4 : memref<128xi32, #tpu.memory_space<hbm>>) dst(%arg5 : memref<128xi32, #tpu.memory_space<vmem>>)
    %iota3A = tpu.iota {dimensions = array<i32: 0>} : vector<16xi32>
    %get3A = arith.constant 0 : index
    %get3A_5 = tpu.vector_load %arg5[%get3A] {strides = array<i32>} : memref<128xi32, #tpu.memory_space<vmem>>, vector<16xi32>,
    %get3A_6 = vector.shape_cast %get3A_5 : vector<16xi32> to vector<16xi32>
    %add3A_7 = arith.constant 0 : i32
    %add3A_8 = arith.addi %mul3A_2, %add3A_7 : i32
    %add3A_9 = vector.broadcast %add3A_8 : i32 to vector<16xi32>
    %add3A_10 = arith.addi %add3A_9, %iota3A : vector<16xi32>
    %mul3A_11 = arith.constant 250 : i32
    %mul3A_12 = vector.broadcast %mul3A_11 : i32 to vector<16xi32>
    %mul3A_13 = arith.muli %add3A_10, %mul3A_12 : vector<16xi32>
    %shift_right_logical3A = arith.constant 7 : i32
    %shift_right_logical3A_14 = vector.broadcast %shift_right_logical3A : i32 to vector<16xi32>
    %shift_right_logical3A_15 = arith.shrui %get3A_6, %shift_right_logical3A_14 : vector<16xi32>
    %add3A_16 = arith.addi %mul3A_13, %shift_right_logical3A_15 : vector<16xi32>
    %swap3A = arith.constant 0 : index
    %swap3A_17 = tpu.vector_load %arg6[%swap3A] {strides = array<i32>} : memref<128xi32, #tpu.memory_space<vmem>>, vector<16xi32>,
    %swap3A_18 = vector.shape_cast %swap3A_17 : vector<16xi32> to vector<16xi32>
    %swap3A_19 = vector.shape_cast %add3A_16 : vector<16xi32> to vector<16xi32>
    tpu.vector_store %arg6[%swap3A], %swap3A_19 {strides = array<i32>} : memref<128xi32, #tpu.memory_space<vmem>>, vector<16xi32>,
    %get3A_20 = arith.constant 16 : index
    %get3A_21 = tpu.vector_load %arg5[%get3A_20] {strides = array<i32>} : memref<128xi32, #tpu.memory_space<vmem>>, vector<16xi32>,
    %get3A_22 = vector.shape_cast %get3A_21 : vector<16xi32> to vector<16xi32>
    %add3A_23 = arith.constant 16 : i32
    %add3A_24 = arith.addi %mul3A_2, %add3A_23 : i32
    %add3A_25 = vector.broadcast %add3A_24 : i32 to vector<16xi32>
    %add3A_26 = arith.addi %add3A_25, %iota3A : vector<16xi32>
    %mul3A_27 = arith.constant 250 : i32
    %mul3A_28 = vector.broadcast %mul3A_27 : i32 to vector<16xi32>
    %mul3A_29 = arith.muli %add3A_26, %mul3A_28 : vector<16xi32>
    %shift_right_logical3A_30 = arith.constant 7 : i32
    %shift_right_logical3A_31 = vector.broadcast %shift_right_logical3A_30 : i32 to vector<16xi32>
    %shift_right_logical3A_32 = arith.shrui %get3A_22, %shift_right_logical3A_31 : vector<16xi32>
    %add3A_33 = arith.addi %mul3A_29, %shift_right_logical3A_32 : vector<16xi32>
    %swap3A_34 = arith.constant 16 : index
    %swap3A_35 = tpu.vector_load %arg6[%swap3A_34] {strides = array<i32>} : memref<128xi32, #tpu.memory_space<vmem>>, vector<16xi32>,
    %swap3A_36 = vector.shape_cast %swap3A_35 : vector<16xi32> to vector<16xi32>
    %swap3A_37 = vector.shape_cast %add3A_33 : vector<16xi32> to vector<16xi32>
    tpu.vector_store %arg6[%swap3A_34], %swap3A_37 {strides = array<i32>} : memref<128xi32, #tpu.memory_space<vmem>>, vector<16xi32>,
    %get3A_38 = arith.constant 32 : index
    %get3A_39 = tpu.vector_load %arg5[%get3A_38] {strides = array<i32>} : memref<128xi32, #tpu.memory_space<vmem>>, vector<16xi32>,
    %get3A_40 = vector.shape_cast %get3A_39 : vector<16xi32> to vector<16xi32>
    %add3A_41 = arith.constant 32 : i32
    %add3A_42 = arith.addi %mul3A_2, %add3A_41 : i32
    %add3A_43 = vector.broadcast %add3A_42 : i32 to vector<16xi32>
    %add3A_44 = arith.addi %add3A_43, %iota3A : vector<16xi32>
    %mul3A_45 = arith.constant 250 : i32
    %mul3A_46 = vector.broadcast %mul3A_45 : i32 to vector<16xi32>
    %mul3A_47 = arith.muli %add3A_44, %mul3A_46 : vector<16xi32>
    %shift_right_logical3A_48 = arith.constant 7 : i32
    %shift_right_logical3A_49 = vector.broadcast %shift_right_logical3A_48 : i32 to vector<16xi32>
    %shift_right_logical3A_50 = arith.shrui %get3A_40, %shift_right_logical3A_49 : vector<16xi32>
    %add3A_51 = arith.addi %mul3A_47, %shift_right_logical3A_50 : vector<16xi32>
    %swap3A_52 = arith.constant 32 : index
    %swap3A_53 = tpu.vector_load %arg6[%swap3A_52] {strides = array<i32>} : memref<128xi32, #tpu.memory_space<vmem>>, vector<16xi32>,
    %swap3A_54 = vector.shape_cast %swap3A_53 : vector<16xi32> to vector<16xi32>
    %swap3A_55 = vector.shape_cast %add3A_51 : vector<16xi32> to vector<16xi32>
    tpu.vector_store %arg6[%swap3A_52], %swap3A_55 {strides = array<i32>} : memref<128xi32, #tpu.memory_space<vmem>>, vector<16xi32>,
    %get3A_56 = arith.constant 48 : index
    %get3A_57 = tpu.vector_load %arg5[%get3A_56] {strides = array<i32>} : memref<128xi32, #tpu.memory_space<vmem>>, vector<16xi32>,
    %get3A_58 = vector.shape_cast %get3A_57 : vector<16xi32> to vector<16xi32>
    %add3A_59 = arith.constant 48 : i32
    %add3A_60 = arith.addi %mul3A_2, %add3A_59 : i32
    %add3A_61 = vector.broadcast %add3A_60 : i32 to vector<16xi32>
    %add3A_62 = arith.addi %add3A_61, %iota3A : vector<16xi32>
    %mul3A_63 = arith.constant 250 : i32
    %mul3A_64 = vector.broadcast %mul3A_63 : i32 to vector<16xi32>
    %mul3A_65 = arith.muli %add3A_62, %mul3A_64 : vector<16xi32>
    %shift_right_logical3A_66 = arith.constant 7 : i32
    %shift_right_logical3A_67 = vector.broadcast %shift_right_logical3A_66 : i32 to vector<16xi32>
    %shift_right_logical3A_68 = arith.shrui %get3A_58, %shift_right_logical3A_67 : vector<16xi32>
    %add3A_69 = arith.addi %mul3A_65, %shift_right_logical3A_68 : vector<16xi32>
    %swap3A_70 = arith.constant 48 : index
    %swap3A_71 = tpu.vector_load %arg6[%swap3A_70] {strides = array<i32>} : memref<128xi32, #tpu.memory_space<vmem>>, vector<16xi32>,
    %swap3A_72 = vector.shape_cast %swap3A_71 : vector<16xi32> to vector<16xi32>
    %swap3A_73 = vector.shape_cast %add3A_69 : vector<16xi32> to vector<16xi32>
    tpu.vector_store %arg6[%swap3A_70], %swap3A_73 {strides = array<i32>} : memref<128xi32, #tpu.memory_space<vmem>>, vector<16xi32>,
    %get3A_74 = arith.constant 64 : index
    %get3A_75 = tpu.vector_load %arg5[%get3A_74] {strides = array<i32>} : memref<128xi32, #tpu.memory_space<vmem>>, vector<16xi32>,
    %get3A_76 = vector.shape_cast %get3A_75 : vector<16xi32> to vector<16xi32>
    %add3A_77 = arith.constant 64 : i32
    %add3A_78 = arith.addi %mul3A_2, %add3A_77 : i32
    %add3A_79 = vector.broadcast %add3A_78 : i32 to vector<16xi32>
    %add3A_80 = arith.addi %add3A_79, %iota3A : vector<16xi32>
    %mul3A_81 = arith.constant 250 : i32
    %mul3A_82 = vector.broadcast %mul3A_81 : i32 to vector<16xi32>
    %mul3A_83 = arith.muli %add3A_80, %mul3A_82 : vector<16xi32>
    %shift_right_logical3A_84 = arith.constant 7 : i32
    %shift_right_logical3A_85 = vector.broadcast %shift_right_logical3A_84 : i32 to vector<16xi32>
    %shift_right_logical3A_86 = arith.shrui %get3A_76, %shift_right_logical3A_85 : vector<16xi32>
    %add3A_87 = arith.addi %mul3A_83, %shift_right_logical3A_86 : vector<16xi32>
    %swap3A_88 = arith.constant 64 : index
    %swap3A_89 = tpu.vector_load %arg6[%swap3A_88] {strides = array<i32>} : memref<128xi32, #tpu.memory_space<vmem>>, vector<16xi32>,
    %swap3A_90 = vector.shape_cast %swap3A_89 : vector<16xi32> to vector<16xi32>
    %swap3A_91 = vector.shape_cast %add3A_87 : vector<16xi32> to vector<16xi32>
    tpu.vector_store %arg6[%swap3A_88], %swap3A_91 {strides = array<i32>} : memref<128xi32, #tpu.memory_space<vmem>>, vector<16xi32>,
    %get3A_92 = arith.constant 80 : index
    %get3A_93 = tpu.vector_load %arg5[%get3A_92] {strides = array<i32>} : memref<128xi32, #tpu.memory_space<vmem>>, vector<16xi32>,
    %get3A_94 = vector.shape_cast %get3A_93 : vector<16xi32> to vector<16xi32>
    %add3A_95 = arith.constant 80 : i32
    %add3A_96 = arith.addi %mul3A_2, %add3A_95 : i32
    %add3A_97 = vector.broadcast %add3A_96 : i32 to vector<16xi32>
    %add3A_98 = arith.addi %add3A_97, %iota3A : vector<16xi32>
    %mul3A_99 = arith.constant 250 : i32
    %mul3A_100 = vector.broadcast %mul3A_99 : i32 to vector<16xi32>
    %mul3A_101 = arith.muli %add3A_98, %mul3A_100 : vector<16xi32>
    %shift_right_logical3A_102 = arith.constant 7 : i32
    %shift_right_logical3A_103 = vector.broadcast %shift_right_logical3A_102 : i32 to vector<16xi32>
    %shift_right_logical3A_104 = arith.shrui %get3A_94, %shift_right_logical3A_103 : vector<16xi32>
    %add3A_105 = arith.addi %mul3A_101, %shift_right_logical3A_104 : vector<16xi32>
    %swap3A_106 = arith.constant 80 : index
    %swap3A_107 = tpu.vector_load %arg6[%swap3A_106] {strides = array<i32>} : memref<128xi32, #tpu.memory_space<vmem>>, vector<16xi32>,
    %swap3A_108 = vector.shape_cast %swap3A_107 : vector<16xi32> to vector<16xi32>
    %swap3A_109 = vector.shape_cast %add3A_105 : vector<16xi32> to vector<16xi32>
    tpu.vector_store %arg6[%swap3A_106], %swap3A_109 {strides = array<i32>} : memref<128xi32, #tpu.memory_space<vmem>>, vector<16xi32>,
    %get3A_110 = arith.constant 96 : index
    %get3A_111 = tpu.vector_load %arg5[%get3A_110] {strides = array<i32>} : memref<128xi32, #tpu.memory_space<vmem>>, vector<16xi32>,
    %get3A_112 = vector.shape_cast %get3A_111 : vector<16xi32> to vector<16xi32>
    %add3A_113 = arith.constant 96 : i32
    %add3A_114 = arith.addi %mul3A_2, %add3A_113 : i32
    %add3A_115 = vector.broadcast %add3A_114 : i32 to vector<16xi32>
    %add3A_116 = arith.addi %add3A_115, %iota3A : vector<16xi32>
    %mul3A_117 = arith.constant 250 : i32
    %mul3A_118 = vector.broadcast %mul3A_117 : i32 to vector<16xi32>
    %mul3A_119 = arith.muli %add3A_116, %mul3A_118 : vector<16xi32>
    %shift_right_logical3A_120 = arith.constant 7 : i32
    %shift_right_logical3A_121 = vector.broadcast %shift_right_logical3A_120 : i32 to vector<16xi32>
    %shift_right_logical3A_122 = arith.shrui %get3A_112, %shift_right_logical3A_121 : vector<16xi32>
    %add3A_123 = arith.addi %mul3A_119, %shift_right_logical3A_122 : vector<16xi32>
    %swap3A_124 = arith.constant 96 : index
    %swap3A_125 = tpu.vector_load %arg6[%swap3A_124] {strides = array<i32>} : memref<128xi32, #tpu.memory_space<vmem>>, vector<16xi32>,
    %swap3A_126 = vector.shape_cast %swap3A_125 : vector<16xi32> to vector<16xi32>
    %swap3A_127 = vector.shape_cast %add3A_123 : vector<16xi32> to vector<16xi32>
    tpu.vector_store %arg6[%swap3A_124], %swap3A_127 {strides = array<i32>} : memref<128xi32, #tpu.memory_space<vmem>>, vector<16xi32>,
    %get3A_128 = arith.constant 112 : index
    %get3A_129 = tpu.vector_load %arg5[%get3A_128] {strides = array<i32>} : memref<128xi32, #tpu.memory_space<vmem>>, vector<16xi32>,
    %get3A_130 = vector.shape_cast %get3A_129 : vector<16xi32> to vector<16xi32>
    %add3A_131 = arith.constant 112 : i32
    %add3A_132 = arith.addi %mul3A_2, %add3A_131 : i32
    %add3A_133 = vector.broadcast %add3A_132 : i32 to vector<16xi32>
    %add3A_134 = arith.addi %add3A_133, %iota3A : vector<16xi32>
    %mul3A_135 = arith.constant 250 : i32
    %mul3A_136 = vector.broadcast %mul3A_135 : i32 to vector<16xi32>
    %mul3A_137 = arith.muli %add3A_134, %mul3A_136 : vector<16xi32>
    %shift_right_logical3A_138 = arith.constant 7 : i32
    %shift_right_logical3A_139 = vector.broadcast %shift_right_logical3A_138 : i32 to vector<16xi32>
    %shift_right_logical3A_140 = arith.shrui %get3A_130, %shift_right_logical3A_139 : vector<16xi32>
    %add3A_141 = arith.addi %mul3A_137, %shift_right_logical3A_140 : vector<16xi32>
    %swap3A_142 = arith.constant 112 : index
    %swap3A_143 = tpu.vector_load %arg6[%swap3A_142] {strides = array<i32>} : memref<128xi32, #tpu.memory_space<vmem>>, vector<16xi32>,
    %swap3A_144 = vector.shape_cast %swap3A_143 : vector<16xi32> to vector<16xi32>
    %swap3A_145 = vector.shape_cast %add3A_141 : vector<16xi32> to vector<16xi32>
    tpu.vector_store %arg6[%swap3A_142], %swap3A_145 {strides = array<i32>} : memref<128xi32, #tpu.memory_space<vmem>>, vector<16xi32>,
    %dma_start3A_146 = arith.constant 0 : i32
    %dma_start3A_147 = arith.constant 0 : i32
    %dma_start3A_148 = tpu.memref_slice %arg2[%dma_start3A_146, %dma_start3A_147] : memref<1024000x128xf32, #tpu.memory_space<hbm>> -> memref<1024000x128xf32, #tpu.memory_space<hbm>>
    tpu.enqueue_indirect_dma source(%dma_start3A_148 : memref<1024000x128xf32, #tpu.memory_space<hbm>>) target(%arg7 : memref<128x128xf32, #tpu.memory_space<vmem>>) offsets(%arg6 : memref<128xi32, #tpu.memory_space<vmem>>) semaphore(%arg9 : memref<!tpu.dma_semaphore, #tpu.memory_space<semaphore_mem>>)
    %dma_wait3A_149 = arith.constant 0 : i32
    %dma_wait3A_150 = arith.constant 0 : i32
    %dma_wait3A_151 = tpu.memref_slice %arg2[%dma_wait3A_149, %dma_wait3A_150] : memref<1024000x128xf32, #tpu.memory_space<hbm>> -> memref<1024000x128xf32, #tpu.memory_space<hbm>>
    tpu.wait_indirect_dma semaphore(%arg9 : memref<!tpu.dma_semaphore, #tpu.memory_space<semaphore_mem>>) src(%dma_wait3A_151 : memref<1024000x128xf32, #tpu.memory_space<hbm>>) dst(%arg7 : memref<128x128xf32, #tpu.memory_space<vmem>>)
    "tpu.region"() ({
      %run_scoped3A = tpu.sem_alloc : memref<!tpu.dma_semaphore, #tpu.memory_space<semaphore_mem>>
      %dma_start3A_152 = arith.constant 0 : i32
      %dma_start3A_153 = tpu.memref_slice %arg4[%mul3A_2, %dma_start3A_152] : memref<4096x128xf32, #tpu.memory_space<hbm>> -> memref<128x128xf32, #tpu.memory_space<hbm>>
      %dma_start3A_154 = arith.constant 0 : i32
      %dma_start3A_155 = tpu.memref_slice %arg4[%mul3A_2, %dma_start3A_154] : memref<4096x128xf32, #tpu.memory_space<hbm>> -> memref<128x128xf32, #tpu.memory_space<hbm>>
      tpu.enqueue_dma source(%arg7 : memref<128x128xf32, #tpu.memory_space<vmem>>) target(%dma_start3A_155 : memref<128x128xf32, #tpu.memory_space<hbm>>) target_semaphore(%run_scoped3A : memref<!tpu.dma_semaphore, #tpu.memory_space<semaphore_mem>>)
      %dma_wait3A_156 = arith.constant 0 : i32
      %dma_wait3A_157 = tpu.memref_slice %arg4[%mul3A_2, %dma_wait3A_156] : memref<4096x128xf32, #tpu.memory_space<hbm>> -> memref<128x128xf32, #tpu.memory_space<hbm>>
      %dma_wait3A_158 = arith.constant 0 : i32
      %dma_wait3A_159 = tpu.memref_slice %arg4[%mul3A_2, %dma_wait3A_158] : memref<4096x128xf32, #tpu.memory_space<hbm>> -> memref<128x128xf32, #tpu.memory_space<hbm>>
      tpu.wait_dma2 semaphore(%run_scoped3A : memref<!tpu.dma_semaphore, #tpu.memory_space<semaphore_mem>>) src(%arg7 : memref<128x128xf32, #tpu.memory_space<vmem>>) dst(%dma_wait3A_159 : memref<128x128xf32, #tpu.memory_space<hbm>>)
      tpu.yield
    }) : () -> ()
    return
  }
}

module attributes {stable_mosaic.version = 14 : i64} {
  func.func @_red_kernel(%arg0: i32, %arg1: i32, %arg2: memref<1x1x512xi32, #tpu.memory_space<vmem>>, %arg3: memref<512x128xf32, #tpu.memory_space<vmem>>, %arg4: memref<512x3200xf32, #tpu.memory_space<vmem>>, %arg5: memref<1x1xf32, #tpu.memory_space<vmem>>) attributes {dimension_semantics = [#tpu.dimension_semantics<arbitrary>, #tpu.dimension_semantics<arbitrary>], iteration_bounds = array<i64: 8, 10>, scalar_prefetch = 0 : i64, scratch_operands = 0 : i64, tpu.core_type = #tpu.core_type<tc>, window_params = [{transform_indices = @transform_0, window_bounds = array<i64: 1, 1, 512>}, {transform_indices = @transform_1, window_bounds = array<i64: 512, 128>}, {transform_indices = @transform_2, window_bounds = array<i64: 512, 3200>}, {pipeline_mode = #tpu.pipeline_mode<synchronous>, transform_indices = @transform_3, window_bounds = array<i64: 1, 1>}]} {
    %eq3A = arith.constant 0 : i32
    %eq3A_0 = arith.cmpi eq, %arg0, %eq3A : i32
    %eq3A_1 = arith.constant 0 : i32
    %eq3A_2 = arith.cmpi eq, %arg1, %eq3A_1 : i32
    %and3A = arith.andi %eq3A_0, %eq3A_2 : i1
    %get3A = arith.constant 0 : index
    %get3A_3 = arith.constant 0 : index
    %get3A_4 = vector.load %arg4[%get3A, %get3A_3] : memref<512x3200xf32, #tpu.memory_space<vmem>>, vector<512x3200xf32>
    %get3A_5 = arith.constant 0 : index
    %get3A_6 = arith.constant 0 : index
    %get3A_7 = arith.constant 0 : index
    %get3A_8 = vector.load %arg2[%get3A_5, %get3A_6, %get3A_7] : memref<1x1x512xi32, #tpu.memory_space<vmem>>, vector<1x1x512xi32>
    %get3A_9 = vector.shape_cast %get3A_8 : vector<1x1x512xi32> to vector<512xi32>
    %ne3A = arith.constant 0 : i32
    %ne3A_10 = vector.broadcast %ne3A : i32 to vector<512xi32>
    %ne3A_11 = arith.cmpi ne, %get3A_9, %ne3A_10 : vector<512xi32>
    %convert_element_type3A = arith.extui %ne3A_11 : vector<512xi1> to vector<512xi32>
    %convert_element_type3A_12 = arith.sitofp %convert_element_type3A : vector<512xi32> to vector<512xf32>
    %reduce_sum3A = arith.constant dense<0.000000e+00> : vector<512xf32>
    %reduce_sum3A_13 = vector.multi_reduction <add>, %get3A_4, %reduce_sum3A [1] : vector<512x3200xf32> to vector<512xf32>
    %mul3A = arith.mulf %reduce_sum3A_13, %convert_element_type3A_12 : vector<512xf32>
    %reduce_sum3A_14 = vector.shape_cast %mul3A : vector<512xf32> to vector<1x512xf32>
    %reduce_sum3A_15 = arith.constant dense<0.000000e+00> : vector<1xf32>
    %reduce_sum3A_16 = vector.multi_reduction <add>, %reduce_sum3A_14, %reduce_sum3A_15 [1] : vector<1x512xf32> to vector<1xf32>
    %reduce_sum3A_17 = vector.shape_cast %reduce_sum3A_16 : vector<1xf32> to vector<1x1xf32>
    %reduce_sum3A_18 = vector.extract %reduce_sum3A_17[0, 0] : f32 from vector<1x1xf32>
    %mul3A_19 = arith.constant -3.12519524E-6 : f32
    %mul3A_20 = arith.mulf %mul3A_19, %reduce_sum3A_18 : f32
    %convert_element_type3A_21 = arith.extui %and3A : i1 to i32
    %cond3A = arith.constant 0 : i32
    %cond3A_22 = arith.cmpi ne, %convert_element_type3A_21, %cond3A : i32
    scf.if %cond3A_22 {
      %broadcast_in_dim3A_33 = arith.constant 0.000000e+00 : f32
      %broadcast_in_dim3A_34 = vector.broadcast %broadcast_in_dim3A_33 : f32 to vector<1x1xf32>
      %swap3A_35 = arith.constant 0 : index
      %swap3A_36 = arith.constant 0 : index
      %swap3A_37 = vector.load %arg5[%swap3A_35, %swap3A_36] : memref<1x1xf32, #tpu.memory_space<vmem>>, vector<1x1xf32>
      tpu.vector_store %arg5[%swap3A_35, %swap3A_36], %broadcast_in_dim3A_34 {strides = array<i32>} : memref<1x1xf32, #tpu.memory_space<vmem>>, vector<1x1xf32>,
    } else {
    }
    %eq3A_23 = arith.constant 0 : i32
    %eq3A_24 = arith.cmpi eq, %arg1, %eq3A_23 : i32
    %convert_element_type3A_25 = arith.extui %eq3A_24 : i1 to i32
    %cond3A_26 = arith.constant 0 : i32
    %cond3A_27 = arith.cmpi ne, %convert_element_type3A_25, %cond3A_26 : i32
    scf.if %cond3A_27 {
      %get3A_33 = arith.constant 0 : index
      %get3A_34 = arith.constant 0 : index
      %get3A_35 = vector.load %arg3[%get3A_33, %get3A_34] : memref<512x128xf32, #tpu.memory_space<vmem>>, vector<512x128xf32>
      %and3A_36 = arith.constant 127 : i32
      %and3A_37 = vector.broadcast %and3A_36 : i32 to vector<512xi32>
      %and3A_38 = arith.andi %get3A_9, %and3A_37 : vector<512xi32>
      %broadcast_in_dim3A_39 = vector.shape_cast %and3A_38 : vector<512xi32> to vector<512x1xi32>
      %iota3A = tpu.iota {dimensions = array<i32: 1>} : vector<512x128xi32>
      %eq3A_40 = vector.broadcast %broadcast_in_dim3A_39 : vector<512x1xi32> to vector<512x128xi32>
      %eq3A_41 = arith.cmpi eq, %iota3A, %eq3A_40 : vector<512x128xi32>
      %jit3A = arith.constant 0.000000e+00 : f32
      %broadcast_in_dim3A_42 = vector.broadcast %jit3A : f32 to vector<512x128xf32>
      %select_n3A = arith.select %eq3A_41, %get3A_35, %broadcast_in_dim3A_42 : vector<512x128xi1>, vector<512x128xf32>
      %reduce_sum3A_43 = arith.constant dense<0.000000e+00> : vector<512xf32>
      %reduce_sum3A_44 = vector.multi_reduction <add>, %select_n3A, %reduce_sum3A_43 [1] : vector<512x128xf32> to vector<512xf32>
      %mul3A_45 = arith.mulf %reduce_sum3A_44, %convert_element_type3A_12 : vector<512xf32>
      %reduce_sum3A_46 = vector.shape_cast %mul3A_45 : vector<512xf32> to vector<1x512xf32>
      %reduce_sum3A_47 = arith.constant dense<0.000000e+00> : vector<1xf32>
      %reduce_sum3A_48 = vector.multi_reduction <add>, %reduce_sum3A_46, %reduce_sum3A_47 [1] : vector<1x512xf32> to vector<1xf32>
      %reduce_sum3A_49 = vector.shape_cast %reduce_sum3A_48 : vector<1xf32> to vector<1x1xf32>
      %reduce_sum3A_50 = vector.extract %reduce_sum3A_49[0, 0] : f32 from vector<1x1xf32>
      %mul3A_51 = arith.constant -0.899996876 : f32
      %mul3A_52 = arith.mulf %mul3A_51, %reduce_sum3A_50 : f32
      %slice3A = vector.extract_strided_slice %get3A_4 {offsets = [0, 0], sizes = [512, 1], strides = [1, 1]} : vector<512x3200xf32> to vector<512x1xf32>
      %squeeze3A = vector.shape_cast %slice3A : vector<512x1xf32> to vector<512xf32>
      %mul3A_53 = arith.mulf %squeeze3A, %convert_element_type3A_12 : vector<512xf32>
      %reduce_sum3A_54 = vector.shape_cast %mul3A_53 : vector<512xf32> to vector<1x512xf32>
      %reduce_sum3A_55 = arith.constant dense<0.000000e+00> : vector<1xf32>
      %reduce_sum3A_56 = vector.multi_reduction <add>, %reduce_sum3A_54, %reduce_sum3A_55 [1] : vector<1x512xf32> to vector<1xf32>
      %reduce_sum3A_57 = vector.shape_cast %reduce_sum3A_56 : vector<1xf32> to vector<1x1xf32>
      %reduce_sum3A_58 = vector.extract %reduce_sum3A_57[0, 0] : f32 from vector<1x1xf32>
      %mul3A_59 = arith.constant 3.12519524E-6 : f32
      %mul3A_60 = arith.mulf %mul3A_59, %reduce_sum3A_58 : f32
      %add3A_61 = arith.addf %mul3A_52, %mul3A_60 : f32
      %reduce_sum3A_62 = vector.shape_cast %convert_element_type3A_12 : vector<512xf32> to vector<1x512xf32>
      %reduce_sum3A_63 = arith.constant dense<0.000000e+00> : vector<1xf32>
      %reduce_sum3A_64 = vector.multi_reduction <add>, %reduce_sum3A_62, %reduce_sum3A_63 [1] : vector<1x512xf32> to vector<1xf32>
      %reduce_sum3A_65 = vector.shape_cast %reduce_sum3A_64 : vector<1xf32> to vector<1x1xf32>
      %reduce_sum3A_66 = vector.extract %reduce_sum3A_65[0, 0] : f32 from vector<1x1xf32>
      %mul3A_67 = arith.constant -1.3624258 : f32
      %mul3A_68 = arith.mulf %mul3A_67, %reduce_sum3A_66 : f32
      %add3A_69 = arith.addf %add3A_61, %mul3A_68 : f32
      %get3A_70 = arith.constant 0 : index
      %get3A_71 = arith.constant 0 : index
      %get3A_72 = vector.load %arg5[%get3A_70, %get3A_71] : memref<1x1xf32, #tpu.memory_space<vmem>>, vector<1x1xf32>
      %broadcast_in_dim3A_73 = vector.broadcast %add3A_69 : f32 to vector<1x1xf32>
      %add3A_74 = arith.addf %get3A_72, %broadcast_in_dim3A_73 : vector<1x1xf32>
      %swap3A_75 = arith.constant 0 : index
      %swap3A_76 = arith.constant 0 : index
      %swap3A_77 = vector.load %arg5[%swap3A_75, %swap3A_76] : memref<1x1xf32, #tpu.memory_space<vmem>>, vector<1x1xf32>
      tpu.vector_store %arg5[%swap3A_75, %swap3A_76], %add3A_74 {strides = array<i32>} : memref<1x1xf32, #tpu.memory_space<vmem>>, vector<1x1xf32>,
    } else {
    }
    %get3A_28 = arith.constant 0 : index
    %get3A_29 = arith.constant 0 : index
    %get3A_30 = vector.load %arg5[%get3A_28, %get3A_29] : memref<1x1xf32, #tpu.memory_space<vmem>>, vector<1x1xf32>
    %broadcast_in_dim3A = vector.broadcast %mul3A_20 : f32 to vector<1x1xf32>
    %add3A = arith.addf %get3A_30, %broadcast_in_dim3A : vector<1x1xf32>
    %swap3A = arith.constant 0 : index
    %swap3A_31 = arith.constant 0 : index
    %swap3A_32 = vector.load %arg5[%swap3A, %swap3A_31] : memref<1x1xf32, #tpu.memory_space<vmem>>, vector<1x1xf32>
    tpu.vector_store %arg5[%swap3A, %swap3A_31], %add3A {strides = array<i32>} : memref<1x1xf32, #tpu.memory_space<vmem>>, vector<1x1xf32>,
    return
  }
  func.func @transform_0(%arg0: i32, %arg1: i32) -> (i32, i32, i32) {
    %c0_i32 = arith.constant 0 : i32
    %c0_i32_0 = arith.constant 0 : i32
    %c0_i32_1 = arith.constant 0 : i32
    return %arg0, %c0_i32, %c0_i32_0 : i32, i32, i32
  }
  func.func @transform_1(%arg0: i32, %arg1: i32) -> (i32, i32) {
    %c0_i32 = arith.constant 0 : i32
    %c0_i32_0 = arith.constant 0 : i32
    return %arg0, %c0_i32 : i32, i32
  }
  func.func @transform_2(%arg0: i32, %arg1: i32) -> (i32, i32) {
    %c0_i32 = arith.constant 0 : i32
    return %arg0, %arg1 : i32, i32
  }
  func.func @transform_3(%arg0: i32, %arg1: i32) -> (i32, i32) {
    %c0_i32 = arith.constant 0 : i32
    %c0_i32_0 = arith.constant 0 : i32
    %c0_i32_1 = arith.constant 0 : i32
    return %c0_i32, %c0_i32_0 : i32, i32
  }
}

</mosaic_0001>

<sc_bundles>
// kernel: kernel.4.cloned.1.call-start
scs
__scs_entry_jumppad:
0x0: {  	(pc) =	sbr.rel $0x88, $3  }
0x1: {  	(tag) =	ssettag $0x0;
	lr =	simm.s32 $0x1  }
0x2: {  	[smem:$0x3F9F] =	sst lr;
	_ =	strace $0xD0000000  }
0x3: {  	_ = 	snop  }
0x4: {  	_ = 	snop  }
0x5: {  	_ = 	snop  }
0x6: {  	_ = 	snop  }
0x7: {  	_ = 	snop  }
__scs_overlays_trampoline_lowered:
0x8: {  	[smem:$0x3FAE] =	sst s0  }
0x9: {  	[smem:$0x3FAF] =	sst s1  }
0xa: {  	[smem:$0x3FB0] =	sst s2  }
0xb: {  	[smem:$0x3FB1] =	sst s3  }
0xc: {  	[smem:$0x3FB2] =	sst s4  }
0xd: {  	[smem:$0x3FB3] =	sst s5  }
0xe: {  	[smem:$0x3FB4] =	sst s6  }
0xf: {  	[smem:$0x3FB5] =	sst s7  }
0x10: {  	[smem:$0x3FB6] =	sst s8  }
0x11: {  	[smem:$0x3FB7] =	sst s9;
	s0 =	simm.s32 @!p0 $0x0  }
0x12: {  	s1 =	sld [smem:$0x3F9D];
	s0 =	simm.s32 @p0 $0x1  }
0x13: {  	[smem:$0x3FB8] =	sst s0;
	s0 =	simm.s32 @!p1 $0x0  }
0x14: {  	s2 =	sld [smem:$0x3F9C];
	s0 =	simm.s32 @p1 $0x1  }
0x15: {  	[smem:$0x3FB9] =	sst s0;
	s0 =	simm.s32 @!p2 $0x0  }
0x16: {  	s3 =	sld [smem:$0x3FDB];
	s0 =	simm.s32 @p2 $0x1  }
0x17: {  	s4 =	simm.s32 $0x1BF5;
	[smem:$0x3FBB] =	sst s0  }
0x18: {  	s0 =	sld [smem:$0x3F9E];
	_ =	swait.ge [sflag:s4], $0x0  }
0x19: {  	s7 =	sld [smem:$0x3F9F]  }
0x1a: {  	s8 =	sadd.s32 $0xFFFFE003, lr  }
0x1b: {  	s9 =	sadd.s32 $0xFFFFFEF7, lr;
	s5 =	simm.s32 $0xFFFFFFFF;
	p2 =	slt.u32 s8, $0xFFFFF086  }
0x1c: {  	p1 =	slt.u32 s9, $0xF7A;
	s5 =	simm.s32 @!p2 $0x0  }
0x1d: {  	s5 =	simm.s32 @p1 $0x1;
	p0 =	seq.s32 s7, s2  }
0x1e: {  	s7 =	smul.u32 @!p0 $0xF7A, s2;
	p2 =	seq.s32 @!p0 s5, $0x0  }
0x1f: {  	s9 =	smul.u32 $0xF7A, s1;
	s8 =	simm.s32 @!p0 $0x1BF5;
	p2 =	por !p2, p0  }
0x20: {  	[sflag:s8] =	ssyncset.s32 @!p0 $0xFFFFF086;
	s6 =	sadd.s32 @!p0 s3, s7;
	s7 =	simm.s32 @!p0 $0x108  }
0x21: {  	s3 =	sadd.s32 s3, s9;
	s6 =	sadd.s32 @!p0 $0x88, s6;
	s7 =	simm.s32 @p2 $0x1082  }
0x22: {  	[simem:s7], [sflag:s8] =	dma.local @!p0 [hbm:s6], $0xF7A  }
0x23: {  	s9 =	sor.u32 $0xD0000000, s2;
	s6 =	simm.s32 $0x108;
	_ =	swait.ge @!p0 [sflag:s8], $0x0  }
0x24: {  	s3 =	sadd.s32 $0x88, s3;
	s6 =	simm.s32 @!p1 $0x1082;
	[sflag:s4] =	ssyncset.s32 $0xFFFFF086  }
0x25: {  	[simem:s6], [sflag:s4] =	dma.local [hbm:s3], $0xF7A  }
0x26: {  	[smem:$0x3F9F] =	sst s1;
	(tag) =	ssettag s2;
	_ =	strace s9  }
0x27: {  	s1 =	sld [smem:$0x3FAF]  }
0x28: {  	s2 =	sld [smem:$0x3FB0]  }
0x29: {  	s4 =	sld [smem:$0x3FB2]  }
0x2a: {  	p0 =	seq.s32 s5, $0x0;
	s5 =	sld [smem:$0x3FB3]  }
0x2b: {  	s6 =	sld [smem:$0x3FB4]  }
0x2c: {  	s7 =	sld [smem:$0x3FB5]  }
0x2d: {  	s3 =	simm.s32 $0x108;
	s8 =	sld [smem:$0x3FB6]  }
0x2e: {  	s3 =	simm.s32 @!p0 $0x1082;
	s9 =	sld [smem:$0x3FB7]  }
0x2f: {  	lr =	sadd.s32 s0, s3;
	s0 =	sld [smem:$0x3FAE]  }
0x30: {  	s3 =	sld [smem:$0x3FB1]  }
0x31: {  	[smem:$0x3FBA] =	sst s10  }
0x32: {  	s10 =	sld [smem:$0x3FB8];
	_ =	sdelay $0x3  }
0x33: {  	p0 =	seq.s32 s10, $0x1;
	s10 =	sld [smem:$0x3FBA];
	_ =	sdelay $0x3  }
0x34: {  	[smem:$0x3FBA] =	sst s10  }
0x35: {  	s10 =	sld [smem:$0x3FB9];
	_ =	sdelay $0x3  }
0x36: {  	p1 =	seq.s32 s10, $0x1;
	s10 =	sld [smem:$0x3FBA];
	_ =	sdelay $0x3  }
0x37: {  	[smem:$0x3FBA] =	sst s10  }
0x38: {  	s10 =	sld [smem:$0x3FBB]  }
0x39: {  	_ = 	snop;
	(pc) =	sbr.ind lr, $3  }
0x3a: {  	_ = 	snop  }
0x3b: {  	_ = 	snop  }
0x3c: {  	p2 =	seq.s32 s10, $0x1;
	s10 =	sld [smem:$0x3FBA]  }
0x3d: {  	_ =	shalt  }
0x3e: {  	_ =	shalt  }
0x3f: {  	_ =	shalt  }
0x40: {  	_ =	shalt  }
0x41: {  	_ =	shalt  }
0x42: {  	_ =	shalt  }
0x43: {  	_ =	shalt  }
0x44: {  	_ =	shalt  }
0x45: {  	_ =	shalt  }
0x46: {  	_ =	shalt  }
0x47: {  	_ =	shalt  }
0x48: {  	_ =	shalt  }
0x49: {  	_ =	shalt  }
0x4a: {  	_ =	shalt  }
0x4b: {  	_ =	shalt  }
0x4c: {  	_ =	shalt  }
0x4d: {  	_ =	shalt  }
0x4e: {  	_ =	shalt  }
0x4f: {  	_ =	shalt  }
0x50: {  	_ =	shalt  }
0x51: {  	_ =	shalt  }
0x52: {  	_ =	shalt  }
0x53: {  	_ =	shalt  }
0x54: {  	_ =	shalt  }
0x55: {  	_ =	shalt  }
0x56: {  	_ =	shalt  }
0x57: {  	_ =	shalt  }
0x58: {  	_ =	shalt  }
0x59: {  	_ =	shalt  }
0x5a: {  	_ =	shalt  }
0x5b: {  	_ =	shalt  }
0x5c: {  	_ =	shalt  }
0x5d: {  	_ =	shalt  }
0x5e: {  	_ =	shalt  }
0x5f: {  	_ =	shalt  }
0x60: {  	_ =	shalt  }
0x61: {  	_ =	shalt  }
0x62: {  	_ =	shalt  }
0x63: {  	_ =	shalt  }
0x64: {  	_ =	shalt  }
0x65: {  	_ =	shalt  }
0x66: {  	_ =	shalt  }
0x67: {  	_ =	shalt  }
0x68: {  	_ =	shalt  }
0x69: {  	_ =	shalt  }
0x6a: {  	_ =	shalt  }
0x6b: {  	_ =	shalt  }
0x6c: {  	_ =	shalt  }
0x6d: {  	_ =	shalt  }
0x6e: {  	_ =	shalt  }
0x6f: {  	_ =	shalt  }
0x70: {  	_ =	shalt  }
0x71: {  	_ =	shalt  }
0x72: {  	_ =	shalt  }
0x73: {  	_ =	shalt  }
0x74: {  	_ =	shalt  }
0x75: {  	_ =	shalt  }
0x76: {  	_ =	shalt  }
0x77: {  	_ =	shalt  }
0x78: {  	_ =	shalt  }
0x79: {  	_ =	shalt  }
0x7a: {  	_ =	shalt  }
0x7b: {  	_ =	shalt  }
0x7c: {  	_ =	shalt  }
0x7d: {  	_ =	shalt  }
0x7e: {  	_ =	shalt  }
0x7f: {  	_ =	shalt  }
0x80: {  	_ =	shalt  }
0x81: {  	_ =	shalt  }
0x82: {  	_ =	shalt  }
0x83: {  	_ =	shalt  }
0x84: {  	_ =	shalt  }
0x85: {  	_ =	shalt  }
0x86: {  	_ =	shalt  }
0x87: {  	_ =	shalt  }
.Lfunc_end0:
.L_simem_size_0:
called_computation_lowered:
.L_overlay_start_0:
0x88: {  	s2 =	sld [smem:$0x3FD9]  }
0x89: {  	s3 =	sld [smem:$0x3FFE];
	_ =	sdelay $0x1  }
0x8a: {  	s1 =	srdreg.scid  }
0x8b: {  	s0 =	sand.u32 $0x1, s1  }
0x8c: {  	s17 =	sshll.u32 s0, $0xA;
	s2 =	sadd.s32 s3, s2  }
0x8d: {  	s2 =	sadd.s32 s2, s17  }
0x8e: {  	[smem:$0x3FC6] =	sst s2  }
0x8f: {  	_ = 	snop  }
0x90: {  	s2 =	sld [smem:$0x3FC8];
	(tm) =	ssettm $0x1  }
0x91: {  	s18 =	sld [smem:$0x3FFB];
	_ =	sdelay $0x3  }
0x92: {  	_ =	strace s18  }
0x93: {  	s3 =	sld [smem:$0x3FFC];
	_ =	sdelay $0x3  }
0x94: {  	_ =	strace s3  }
0x95: {  	s3 =	sld [smem:$0x3FFD];
	_ =	sdelay $0x3  }
0x96: {  	_ =	strace s3  }
0x97: {  	_ =	strace $0x8FFFFFFF  }
0x98: {  	s19 =	sld [smem:$0x3FDB];
	_ =	sdelay $0x1  }
0x99: {  	s4 =	simm.s32 $_scs_section_size  }
0x9a: {  	s5 =	simm.s32 $_size__tile_overlayer_lowered;
	s6 =	simm.s32 $_tile_overlayer_lowered  }
0x9b: {  	s22 =	simm.s32 $0x1BFF;
	s21 =	sshll.u32 s6, $0x1;
	s3 =	sadd.s32 s4, s19  }
0x9c: {  	s7 =	simm.s32 $0x0;
	s20 =	sshll.u32 s5, $0x1;
	s5 =	sadd.s32 s21, s3  }
0x9d: {  	[timem:s7], [sflag:s22] =	dma.local [hbm:s5], s20  }
0x9e: {  	_ =	swait.ge [sflag:s22], s20  }
0x9f: {  	s4 =	ssub.s32 $0x0, s20;
	[sflag:s22] =	ssyncset.done $0x0  }
0xa0: {  	[sflag:s22] =	ssyncadd.s32 s4;
	_ =	sdelay $0x1  }
0xa1: {  	s23 =	simm.s32 $0x1B8B  }
0xa2: {  	_ =	swait.ge [sflag:s23], $0x1  }
0xa3: {  	[sflag:s23] =	ssyncset.done $0x0  }
0xa4: {  	s25 =	simm.s32 $0x1B8E;
	s24 =	sld [smem:$0x3FFE];
	[sflag:s23] =	ssyncadd.s32 $0xFFFFFFFF  }
0xa5: {  	s26 =	simm.s32 $execute0_lowered;
	[smem:$0x3FD2] =	sst s25  }
0xa6: {  	s5 =	sshll.u32 s26, $0x1;
	_ =	strace $0x80000046;
	[dreg:$0x1] =	wrdreg $0xFFFFFFFF  }
0xa7: {  	s28 =	simm.s32 $_size_execute0_lowered;
	s3 =	sadd.s32 s3, s5;
	[dreg:$0x0] =	wrdreg $0x0  }
0xa8: {  	s5 =	sshll.u32 s28, $0x1;
	[dreg:$0x2] =	wrdreg s3  }
0xa9: {  	[dreg:$0x3] =	wrdreg s5  }
0xaa: {  	[dreg:$0x4] =	wrdreg $0xC0  }
0xab: {  	_ =	task [dreg:s7], $0x5FFFF  }
0xac: {  	[dreg:$0x1] =	wrdreg $0xFFFFFFFF  }
0xad: {  	[dreg:$0x0] =	wrdreg $0x60  }
0xae: {  	[dreg:$0x2] =	wrdreg s24  }
0xaf: {  	[dreg:$0x3] =	wrdreg s2  }
0xb0: {  	[dreg:$0x4] =	wrdreg $0x9  }
0xb1: {  	_ =	task.clear_ibuf [dreg:s7], $0x5FFFF;
	_ =	strace $0x90000046  }
0xb2: {  	s29 =	simm.s32 $0x9;
	_ =	strace $0x80000048  }
0xb3: {  	_ =	swait.ge [sflag:s29], $0x1  }
0xb4: {  	[sflag:s29] =	ssyncadd.s32 $0xFFFFFFFF  }
0xb5: {  	_ =	strace $0x90000048  }
0xb6: {  	_ =	sfence  }
0xb7: {  	s30 =	sld [smem:$0x0];
	_ =	sdelay $0x2  }
0xb8: {  	s31 =	sshll.u32 s1, $0xD;
	s1 =	sshrl.u32 s1, $0x2  }
0xb9: {  	s3 =	sand.u32 $0x4000, s31;
	s1 =	sadd.s32 s1, s30  }
0xba: {  	s0 =	sor.u32 s3, s0;
	s1 =	sshll.u32 s1, $0x11  }
0xbb: {  	s0 =	sor.u32 s1, s0  }
0xbc: {  	s0 =	sadd.s32 $0x8F2B, s0  }
0xbd: {  	[sflag:s0] =	ssyncadd.remote.s32 $0x1  }
0xbe: {  	_ =	sfence.sel $0xFFFF  }
0xbf: {  	[dreg:$0x0] =	wrdreg $0xFFFFFFFF;
	(pc) =	sbr.abs _section_cstart, $3  }
0xc0: {  	[dreg:$0x1] =	wrdreg $0xFFFFFFFF  }
0xc1: {  	_ =	task.clear_ibuf [dreg:s7], $0x2FFFF;
	_ =	strace $0x9FFFFFFF  }
0xc2: {  	(tm) =	ssettm $0x7FFFFFFF  }
0xc3: {  	_ =	shalt  }
tec
execute0_lowered:
.L_overlay_start_1:
0x0: {  	(tag) =	ssettag $0x1  }
0x1: {  	s5 =	rddreg [dreg:$0x0]  }
0x2: {  	s3 =	rddreg [dreg:$0x1];
	s2 =	srdreg.scid  }
0x3: {  	s0 =	rddreg [dreg:$0x2];
	s1 =	stileid.u32;
	s6 =	sand.u32 $0x1, s2  }
0x4: {  	s2 =	simm.s32 $0x0;
	s4 =	sshll.u32 s1, $0x8;
	s7 =	sshll.u32 s6, $0x7  }
0x5: {  	[smem:$0x7FF] =	sst s2;
	s7 =	sor.u32 s7, s4  }
0x6: {  	_ =	strace $0x80000047;
	s4 =	sshrl.u32 s7, $0x3;
	s8 =	sor.u32 $0x10, s7  }
0x7: {  	s26 =	sor.u32 $0x30, s7;
	s3 =	sadd.s32 s3, s4;
	s4 =	simm.s32 $0x1  }
0x8: {  	v1 =	vlaneseq.u32;
	v0 =	vmov s7;
	[tilespmem:s2], [sflag:$0x1] =	stream.linear.gather [hbm4b:s3+s2], $0x80, $0x38;
	[tilespmem:$0x4100] =	vst v63  }
0x9: {  	v7 =	vmul.u32 $0xFA, v1;
	s9 =	sor.u32 $0x40, s7;
	s28 =	sor.u32 $0x50, s7;
	v0 =	vmul.u32 $0xFA, v0;
	_ =	swait.ge [sflag:s4], $0x80  }
0xa: {  	s29 =	sor.u32 $0x60, s7;
	s30 =	sor.u32 $0x70, s7;
	v2 =	vmov s8;
	v3 =	vmov s26;
	v4 =	vmov s9;
	[sflag:s4] =	ssyncset.done $0x0  }
0xb: {  	s25 =	sor.u32 $0x20, s7;
	v5 =	vmov s28;
	v12 =	vmov s29;
	v15 =	vmov s30;
	[sflag:s4] =	ssyncadd.s32 $0xFFFFFF80  }
0xc: {  	v1 =	vmul.u32 $0xFA, v2;
	v2 =	vmov s25;
	v3 =	vmul.u32 $0xFA, v3;
	v6 =	vld [tilespmem:$0x50]  }
0xd: {  	v4 =	vmul.u32 $0xFA, v4;
	v5 =	vmul.u32 $0xFA, v5;
	v0 =	vbroadcast v0, $0x0;
	v8 =	vld [tilespmem:$0x30]  }
0xe: {  	v2 =	vmul.u32 $0xFA, v2;
	v1 =	vbroadcast v1, $0x0;
	v3 =	vbroadcast v3, $0x0;
	v9 =	vld [tilespmem:$0x20]  }
0xf: {  	s6 =	ssub.s32 $0x2, s6;
	v12 =	vmul.u32 $0xFA, v12;
	v4 =	vbroadcast v4, $0x0;
	v5 =	vbroadcast v5, $0x0;
	v10 =	vld [tilespmem:$0x10]  }
0x10: {  	s31 =	sshrl.u32 s6, $0x1;
	v2 =	vbroadcast v2, $0x0;
	v0 =	vadd.s32 v7, v0;
	v1 =	vadd.s32 v7, v1;
	v11 =	vld [tilespmem:$0x40]  }
0x11: {  	s8 =	ssub.s32 s6, s31;
	v3 =	vadd.s32 v7, v3;
	v5 =	vadd.s32 v7, v5;
	v13 =	vld [tilespmem:$0x0];
	v6 =	vshrl.u32 v6, $0x7  }
0x12: {  	s11 =	smax.u32 s8, $0x1;
	v4 =	vadd.s32 v7, v4;
	v14 =	vld [tilespmem:$0x60];
	v8 =	vshrl.u32 v8, $0x7;
	v6 =	vadd.s32 v6, v5  }
0x13: {  	p0 =	sne.s32 s11, $0x1;
	v16 =	vld [tilespmem:$0x70];
	v2 =	vadd.s32 v7, v2;
	v9 =	vshrl.u32 v9, $0x7;
	v8 =	vadd.s32 v8, v3;
	[tilespmem:$0xD0] =	vst v6  }
.Ltmp0:
0x14: {  	v9 =	vadd.s32 v9, v2;
	[tilespmem:$0xB0] =	vst v8;
	v6 =	vmul.u32 $0xFA, v15;
	v8 =	vshrl.u32 v10, $0x7;
	(pc) =	sbr.rel @!p0 .LBB2_2-.Ltmp0, $4  }
0x15: {  	s7 =	sshll.u32 s7, $0x4;
	v10 =	vbroadcast v12, $0x0;
	[tilespmem:$0xA0] =	vst v9;
	v9 =	vshrl.u32 v11, $0x7;
	v8 =	vadd.s32 v8, v1  }
0x16: {  	s10 =	simm.s32 $0x2;
	s7 =	sadd.s32 s7, s5;
	v63 =	vshrl.u32 v13, $0x7;
	v11 =	vbroadcast v6, $0x0;
	[tilespmem:$0x90] =	vst v8;
	v8 =	vadd.s32 v9, v4  }
0x17: {  	s6 =	sadd.s32 $0x800, s5;
	s9 =	simm.s32 $0x3;
	s5 =	sadd.s32 $0xFA0800, s7;
	v6 =	vadd.s32 v7, v10;
	v9 =	vadd.s32 v63, v0;
	[tilespmem:$0xC0] =	vst v8;
	v8 =	vshrl.u32 v14, $0x7  }
0x18: {  	s8 =	simm.s32 $0x80;
	s7 =	simm.s32 $0x100;
	s11 =	sadd.s32 $0xFFFFFFFF, s11;
	[tilespmem:$0x80] =	vst v9;
	v9 =	vshrl.u32 v16, $0x7;
	v7 =	vadd.s32 v7, v11;
	v8 =	vadd.s32 v8, v6  }
.LBB2_1:
0x19: {  	p0 =	sne.s32 s11, $0x1;
	s11 =	sadd.s32 $0xFFFFFFFF, s11;
	[tilespmem:$0xE0] =	vst v8;
	v8 =	vadd.s32 v9, v7  }
0x1a: {  	[tilespmem:$0xF0] =	vst v8  }
0x1b: {  	[tilespmem:s7], [sflag:$0x2] =	stream.indirect.gather [hbm4b:s6+s8], $0x80, s8, s8, $0xb8;
	[tilespmem:$0x4100] =	vst v63  }
0x1c: {  	_ =	swait.ge [sflag:s10], $0x4000  }
0x1d: {  	[sflag:s10] =	ssyncset.done $0x0  }
0x1e: {  	[sflag:s10] =	ssyncadd.s32 $0xFFFFC000  }
0x1f: {  	[hbm4b:s5+s2] =	stream.linear.scatter [tilespmem:s7], [sflag:$0x3], $0x4000, $0x38;
	[tilespmem:$0x4100] =	vst v63  }
0x20: {  	_ =	swait.ge [sflag:s9], $0x4000  }
0x21: {  	[sflag:s9] =	ssyncset.done $0x0  }
0x22: {  	[sflag:s9] =	ssyncadd.s32 $0xFFFFC000  }
0x23: {  	[tilespmem:s2], [sflag:$0x1] =	stream.linear.gather [hbm4b:s3+s2], $0x80, $0x38;
	[tilespmem:$0x4100] =	vst v63  }
0x24: {  	_ =	swait.ge [sflag:s4], $0x80  }
0x25: {  	[sflag:s4] =	ssyncset.done $0x0  }
0x26: {  	[sflag:s4] =	ssyncadd.s32 $0xFFFFFF80  }
0x27: {  	v8 =	vld [tilespmem:$0x50]  }
0x28: {  	v9 =	vld [tilespmem:$0x30]  }
0x29: {  	v10 =	vld [tilespmem:$0x20]  }
0x2a: {  	v11 =	vld [tilespmem:$0x10]  }
0x2b: {  	v12 =	vld [tilespmem:$0x40]  }
0x2c: {  	v13 =	vld [tilespmem:$0x0];
	v8 =	vshrl.u32 v8, $0x7  }
0x2d: {  	v9 =	vshrl.u32 v9, $0x7;
	v8 =	vadd.s32 v8, v5;
	v14 =	vld [tilespmem:$0x60]  }
0x2e: {  	v10 =	vshrl.u32 v10, $0x7;
	v9 =	vadd.s32 v9, v3;
	[tilespmem:$0xD0] =	vst v8;
	v15 =	vld [tilespmem:$0x70]  }
.Ltmp1:
0x2f: {  	v8 =	vshrl.u32 v11, $0x7;
	v10 =	vadd.s32 v10, v2;
	[tilespmem:$0xB0] =	vst v9;
	(pc) =	sbr.rel @p0 .LBB2_1-.Ltmp1, $4  }
0x30: {  	v8 =	vadd.s32 v8, v1;
	[tilespmem:$0xA0] =	vst v10;
	v9 =	vshrl.u32 v12, $0x7  }
0x31: {  	v10 =	vshrl.u32 v13, $0x7;
	[tilespmem:$0x90] =	vst v8;
	v8 =	vadd.s32 v9, v4  }
0x32: {  	v9 =	vadd.s32 v10, v0;
	[tilespmem:$0xC0] =	vst v8;
	v8 =	vshrl.u32 v14, $0x7  }
0x33: {  	[tilespmem:$0x80] =	vst v9;
	v8 =	vadd.s32 v8, v6;
	v9 =	vshrl.u32 v15, $0x7  }
.LBB2_2:
0x34: {  	[tilespmem:$0xE0] =	vst v8;
	v0 =	vadd.s32 v9, v7  }
0x35: {  	[tilespmem:$0xF0] =	vst v0  }
0x36: {  	[tilespmem:s7], [sflag:$0x2] =	stream.indirect.gather [hbm4b:s6+s8], $0x80, s8, s8, $0xb8;
	[tilespmem:$0x4100] =	vst v63  }
0x37: {  	_ =	swait.ge [sflag:s10], $0x4000  }
0x38: {  	[sflag:s10] =	ssyncset.done $0x0  }
0x39: {  	[sflag:s10] =	ssyncadd.s32 $0xFFFFC000  }
0x3a: {  	[hbm4b:s5+s2] =	stream.linear.scatter [tilespmem:s7], [sflag:$0x3], $0x4000, $0x38;
	[tilespmem:$0x4100] =	vst v63  }
0x3b: {  	_ =	swait.ge [sflag:s9], $0x4000  }
0x3c: {  	[sflag:s9] =	ssyncset.done $0x0  }
0x3d: {  	[sflag:s9] =	ssyncadd.s32 $0xFFFFC000  }
0x3e: {  	_ =	sfence.sel $0x180000  }
0x3f: {  	[bflag:$0x0] =	sbarrier.arrive $0xFFFF  }
0x40: {  	p0 =	sne.s32 s1, $0x0;
	_ =	strace $0x90000047  }
0x41: {  	s0 =	sadd.s32 @!p0 $0x100000, s0;
	[bflag:$0x2] =	sbarrier.arrive $0xFFFF  }
0x42: {  	[sflag:s0] =	ssyncadd.tile.s32 @!p0 $0x1;
	_ =	shalt  }
.Lfunc_end2:
_tile_overlayer_lowered:
.L_overlay_start_2:
0x43: {  	(tag) =	ssettag $0x2  }
0x44: {  	s0 =	rddreg [dreg:$0x0];
	s2 =	stileid.u32  }
0x45: {  	s1 =	rddreg [dreg:$0x1];
	p0 =	sne.s32 s2, $0x0  }
0x46: {  	s3 =	rddreg [dreg:$0x2];
	[bflag:$0x3] =	sbarrier.arrive $0xFFFF;
	s2 =	simm.s32 @!p0 $0x1C03  }
0x47: {  	[timem:s3], [sflag:s2] =	dma.local @!p0 [hbm:s0], s1  }
0x48: {  	s0 =	simm.s32 @!p0 $0x3  }
0x49: {  	_ =	swait.ge @!p0 [sflag:s0], s1  }
0x4a: {  	s1 =	ssub.s32 @!p0 $0x0, s1;
	[sflag:s0] =	ssyncset.done @!p0 $0x0  }
0x4b: {  	[sflag:s0] =	ssyncadd.s32 @!p0 s1  }
0x4c: {  	[bflag:$0x3] =	sbarrier.arrive $0xFFFF  }
0x4d: {  	_ =	shalt  }

</sc_bundles>
